<compile_context>
chip_gen: v7x
topology: tpu7x:2x2x1
jax: 0.10.2.dev20260603
libtpu: 0.0.44.dev20260713+nightly
codegen_flags: <defaults>
</compile_context>

<pallas_src>
import functools

import jax
import jax.numpy as jnp
from jax import lax
from jax.experimental import pallas as pl
from jax.experimental.pallas import tpu as pltpu
from jax.experimental.pallas import tpu_sc as plsc

ROWS = 16384
COLS = 4096
LANES = 16
NUM_WORKERS = 32
ROWS_PER_W = ROWS // NUM_WORKERS
WORDS_PER_W = ROWS_PER_W * COLS
BUF_WORDS = 16 * COLS
DMAS_PER_W = WORDS_PER_W // BUF_WORDS


def _sc_body(m_hbm, out_hbm, m_v, buf_v, sem):
    nc = lax.axis_size("c")
    wid = lax.axis_index("s") * nc + lax.axis_index("c")
    base_row = wid * ROWS_PER_W

    pltpu.sync_copy(m_hbm.at[pl.ds(base_row, ROWS_PER_W)], m_v)

    def scale_chunk(i, acc):
        m = m_v[pl.ds(i * LANES, LANES)]
        return jnp.maximum(acc, m * (1.0 - m))

    fill = lax.fori_loop(0, ROWS_PER_W // LANES, scale_chunk,
                         jnp.zeros((LANES,), jnp.float32))

    def fill_chunk(i, carry):
        buf_v[pl.ds(i * LANES, LANES)] = fill
        return carry

    lax.fori_loop(0, BUF_WORDS // LANES, fill_chunk, 0)

    base_word = wid * WORDS_PER_W
    copies = [
        pltpu.async_copy(
            buf_v, out_hbm.at[pl.ds(base_word + j * BUF_WORDS, BUF_WORDS)], sem)
        for j in range(DMAS_PER_W)
    ]
    for c in copies:
        c.wait()


@functools.partial(jax.jit, static_argnames=())
def _sc_call(mask_f):
    k = pl.kernel(
        _sc_body,
        out_type=jax.ShapeDtypeStruct((ROWS * COLS,), jnp.float32),
        mesh=plsc.VectorSubcoreMesh(core_axis_name="c", subcore_axis_name="s"),
        scratch_types=[
            pltpu.VMEM((ROWS_PER_W,), jnp.float32),
            pltpu.VMEM((BUF_WORDS,), jnp.float32),
            pltpu.SemaphoreType.DMA,
        ],
    )
    return k(mask_f)


def kernel(x, mask):
    rows, cols = x.shape
    flat = _sc_call(mask.astype(jnp.float32))
    return flat.reshape(rows, cols)

# --- scband reference (transcript-rebuilt; emitter-appended) ---
"""Pipeline reference for scband-fake-structured-sparsity-59648505807237 (READ-ONLY COPY).

The authoritative reference and input builder live on the scoring server;
editing this copy changes nothing except your own understanding.
"""

import jax, jax.numpy as jnp
import numpy as np

ROWS = 16384
COLS = 4096

def setup_inputs(seed: int = 0) -> dict:
    key = jax.random.key(seed)
    k1, k2 = jax.random.split(key)
    x = jax.random.normal(k1, (ROWS, COLS), dtype=jnp.float32)
    mask = jax.random.randint(k2, (ROWS,), 0, 2).astype(jnp.bool_)
    return {"x": x, "mask": mask}

def reference(x, mask):
    # Faithful translation of FakeStructuredSparsity.forward:
    #   x.data[self.mask] = 0        (in-place zero of rows where mask is True)
    #   shape = [1]*ndim; shape[0] = -1
    #   return self.mask.reshape(shape) * x
    mshape = [1] * x.ndim
    mshape[0] = -1
    m = mask.reshape(mshape)
    x_mut = jnp.where(m, jnp.zeros_like(x), x)  # emulates x.data[mask] = 0
    return m.astype(x.dtype) * x_mut

if __name__ == "__main__":
    import jax
    _d = setup_inputs()
    print(jax.jit(kernel)(*tuple(_d.values())))

</pallas_src>

<mosaic_0001>
#map = affine_map<(d0, d1) -> (0)>
module attributes {stable_mosaic.version = 14 : i64} {
  func.func @_sc_body(%arg0: i32, %arg1: i32, %arg2: memref<16384xf32, #tpu.memory_space<hbm>>, %arg3: memref<67108864xf32, #tpu.memory_space<hbm>>, %arg4: memref<512xf32, #tpu.memory_space<vmem>>, %arg5: memref<65536xf32, #tpu.memory_space<vmem>>, %arg6: memref<!tpu.dma_semaphore, #tpu.memory_space<semaphore_mem>>) attributes {dimension_semantics = [#tpu.dimension_semantics<core_parallel>, #tpu.dimension_semantics<subcore_parallel>], iteration_bounds = array<i64: 2, 16>, scalar_prefetch = 0 : i64, scratch_operands = 3 : i64, tpu.core_type = #tpu.core_type<sc_vector_subcore>, window_params = [{transform_indices = #map}, {transform_indices = #map}]} {
    %mul3A = arith.constant 2 : i32
    %mul3A_0 = arith.muli %arg1, %mul3A : i32
    %add3A = arith.addi %mul3A_0, %arg0 : i32
    %mul3A_1 = arith.constant 512 : i32
    %mul3A_2 = arith.muli %add3A, %mul3A_1 : i32
    "tpu.region"() ({
      %run_scoped3A = tpu.sem_alloc : memref<!tpu.dma_semaphore, #tpu.memory_space<semaphore_mem>>
      %dma_start3A_207 = tpu.memref_slice %arg2[%mul3A_2] : memref<16384xf32, #tpu.memory_space<hbm>> -> memref<512xf32, #tpu.memory_space<hbm>>
      %dma_start3A_208 = tpu.memref_slice %arg2[%mul3A_2] : memref<16384xf32, #tpu.memory_space<hbm>> -> memref<512xf32, #tpu.memory_space<hbm>>
      tpu.enqueue_dma source(%dma_start3A_208 : memref<512xf32, #tpu.memory_space<hbm>>) target(%arg4 : memref<512xf32, #tpu.memory_space<vmem>>) target_semaphore(%run_scoped3A : memref<!tpu.dma_semaphore, #tpu.memory_space<semaphore_mem>>)
      %dma_wait3A_209 = tpu.memref_slice %arg2[%mul3A_2] : memref<16384xf32, #tpu.memory_space<hbm>> -> memref<512xf32, #tpu.memory_space<hbm>>
      %dma_wait3A_210 = tpu.memref_slice %arg2[%mul3A_2] : memref<16384xf32, #tpu.memory_space<hbm>> -> memref<512xf32, #tpu.memory_space<hbm>>
      tpu.wait_dma2 semaphore(%run_scoped3A : memref<!tpu.dma_semaphore, #tpu.memory_space<semaphore_mem>>) src(%dma_wait3A_210 : memref<512xf32, #tpu.memory_space<hbm>>) dst(%arg4 : memref<512xf32, #tpu.memory_space<vmem>>)
      tpu.yield
    }) : () -> ()
    %broadcast_in_dim3A = arith.constant 0.000000e+00 : f32
    %broadcast_in_dim3A_3 = vector.broadcast %broadcast_in_dim3A : f32 to vector<16xf32>
    %scan3A = arith.constant 0 : i32
    %scan3A_4 = arith.constant 32 : i32
    %scan3A_5 = arith.addi %scan3A, %scan3A_4 : i32
    %scan3A_6 = arith.constant 1 : i32
    %scan3A_7 = scf.for %scan3A_207 = %scan3A to %scan3A_5 step %scan3A_6 iter_args(%scan3A_208 = %broadcast_in_dim3A_3) -> (vector<16xf32>)  : i32 {
      %mul3A_209 = arith.constant 16 : i32
      %mul3A_210 = arith.muli %scan3A_207, %mul3A_209 : i32
      %get3A = arith.index_cast %mul3A_210 : i32 to index
      %get3A_211 = tpu.vector_load %arg4[%get3A] {strides = array<i32>} : memref<512xf32, #tpu.memory_space<vmem>>, vector<16xf32>,
      %get3A_212 = vector.shape_cast %get3A_211 : vector<16xf32> to vector<16xf32>
      %sub3A = arith.constant 1.000000e+00 : f32
      %sub3A_213 = vector.broadcast %sub3A : f32 to vector<16xf32>
      %sub3A_214 = arith.subf %sub3A_213, %get3A_212 : vector<16xf32>
      %mul3A_215 = arith.mulf %get3A_212, %sub3A_214 : vector<16xf32>
      %max3A = arith.maximumf %scan3A_208, %mul3A_215 : vector<16xf32>
      scf.yield %max3A : vector<16xf32>
    }
    %scan3A_8 = arith.constant 32 : i32
    %scan3A_9 = arith.constant 0 : i32
    %scan3A_10 = arith.constant 0 : i32
    %scan3A_11 = arith.constant 4096 : i32
    %scan3A_12 = arith.addi %scan3A_10, %scan3A_11 : i32
    %scan3A_13 = arith.constant 1 : i32
    scf.for %scan3A_207 = %scan3A_10 to %scan3A_12 step %scan3A_13  : i32 {
      %mul3A_208 = arith.constant 16 : i32
      %mul3A_209 = arith.muli %scan3A_207, %mul3A_208 : i32
      %swap3A = arith.index_cast %mul3A_209 : i32 to index
      %swap3A_210 = tpu.vector_load %arg5[%swap3A] {strides = array<i32>} : memref<65536xf32, #tpu.memory_space<vmem>>, vector<16xf32>,
      %swap3A_211 = vector.shape_cast %swap3A_210 : vector<16xf32> to vector<16xf32>
      %swap3A_212 = vector.shape_cast %scan3A_7 : vector<16xf32> to vector<16xf32>
      tpu.vector_store %arg5[%swap3A], %swap3A_212 {strides = array<i32>} : memref<65536xf32, #tpu.memory_space<vmem>>, vector<16xf32>,
    }
    %scan3A_14 = arith.constant 4096 : i32
    %mul3A_15 = arith.constant 2097152 : i32
    %mul3A_16 = arith.muli %add3A, %mul3A_15 : i32
    %add3A_17 = arith.constant 0 : i32
    %add3A_18 = arith.addi %mul3A_16, %add3A_17 : i32
    %dma_start3A = tpu.memref_slice %arg3[%add3A_18] : memref<67108864xf32, #tpu.memory_space<hbm>> -> memref<65536xf32, #tpu.memory_space<hbm>>
    %dma_start3A_19 = tpu.memref_slice %arg3[%add3A_18] : memref<67108864xf32, #tpu.memory_space<hbm>> -> memref<65536xf32, #tpu.memory_space<hbm>>
    tpu.enqueue_dma source(%arg5 : memref<65536xf32, #tpu.memory_space<vmem>>) target(%dma_start3A_19 : memref<65536xf32, #tpu.memory_space<hbm>>) target_semaphore(%arg6 : memref<!tpu.dma_semaphore, #tpu.memory_space<semaphore_mem>>)
    %add3A_20 = arith.constant 65536 : i32
    %add3A_21 = arith.addi %mul3A_16, %add3A_20 : i32
    %dma_start3A_22 = tpu.memref_slice %arg3[%add3A_21] : memref<67108864xf32, #tpu.memory_space<hbm>> -> memref<65536xf32, #tpu.memory_space<hbm>>
    %dma_start3A_23 = tpu.memref_slice %arg3[%add3A_21] : memref<67108864xf32, #tpu.memory_space<hbm>> -> memref<65536xf32, #tpu.memory_space<hbm>>
    tpu.enqueue_dma source(%arg5 : memref<65536xf32, #tpu.memory_space<vmem>>) target(%dma_start3A_23 : memref<65536xf32, #tpu.memory_space<hbm>>) target_semaphore(%arg6 : memref<!tpu.dma_semaphore, #tpu.memory_space<semaphore_mem>>)
    %add3A_24 = arith.constant 131072 : i32
    %add3A_25 = arith.addi %mul3A_16, %add3A_24 : i32
    %dma_start3A_26 = tpu.memref_slice %arg3[%add3A_25] : memref<67108864xf32, #tpu.memory_space<hbm>> -> memref<65536xf32, #tpu.memory_space<hbm>>
    %dma_start3A_27 = tpu.memref_slice %arg3[%add3A_25] : memref<67108864xf32, #tpu.memory_space<hbm>> -> memref<65536xf32, #tpu.memory_space<hbm>>
    tpu.enqueue_dma source(%arg5 : memref<65536xf32, #tpu.memory_space<vmem>>) target(%dma_start3A_27 : memref<65536xf32, #tpu.memory_space<hbm>>) target_semaphore(%arg6 : memref<!tpu.dma_semaphore, #tpu.memory_space<semaphore_mem>>)
    %add3A_28 = arith.constant 196608 : i32
    %add3A_29 = arith.addi %mul3A_16, %add3A_28 : i32
    %dma_start3A_30 = tpu.memref_slice %arg3[%add3A_29] : memref<67108864xf32, #tpu.memory_space<hbm>> -> memref<65536xf32, #tpu.memory_space<hbm>>
    %dma_start3A_31 = tpu.memref_slice %arg3[%add3A_29] : memref<67108864xf32, #tpu.memory_space<hbm>> -> memref<65536xf32, #tpu.memory_space<hbm>>
    tpu.enqueue_dma source(%arg5 : memref<65536xf32, #tpu.memory_space<vmem>>) target(%dma_start3A_31 : memref<65536xf32, #tpu.memory_space<hbm>>) target_semaphore(%arg6 : memref<!tpu.dma_semaphore, #tpu.memory_space<semaphore_mem>>)
    %add3A_32 = arith.constant 262144 : i32
    %add3A_33 = arith.addi %mul3A_16, %add3A_32 : i32
    %dma_start3A_34 = tpu.memref_slice %arg3[%add3A_33] : memref<67108864xf32, #tpu.memory_space<hbm>> -> memref<65536xf32, #tpu.memory_space<hbm>>
    %dma_start3A_35 = tpu.memref_slice %arg3[%add3A_33] : memref<67108864xf32, #tpu.memory_space<hbm>> -> memref<65536xf32, #tpu.memory_space<hbm>>
    tpu.enqueue_dma source(%arg5 : memref<65536xf32, #tpu.memory_space<vmem>>) target(%dma_start3A_35 : memref<65536xf32, #tpu.memory_space<hbm>>) target_semaphore(%arg6 : memref<!tpu.dma_semaphore, #tpu.memory_space<semaphore_mem>>)
    %add3A_36 = arith.constant 327680 : i32
    %add3A_37 = arith.addi %mul3A_16, %add3A_36 : i32
    %dma_start3A_38 = tpu.memref_slice %arg3[%add3A_37] : memref<67108864xf32, #tpu.memory_space<hbm>> -> memref<65536xf32, #tpu.memory_space<hbm>>
    %dma_start3A_39 = tpu.memref_slice %arg3[%add3A_37] : memref<67108864xf32, #tpu.memory_space<hbm>> -> memref<65536xf32, #tpu.memory_space<hbm>>
    tpu.enqueue_dma source(%arg5 : memref<65536xf32, #tpu.memory_space<vmem>>) target(%dma_start3A_39 : memref<65536xf32, #tpu.memory_space<hbm>>) target_semaphore(%arg6 : memref<!tpu.dma_semaphore, #tpu.memory_space<semaphore_mem>>)
    %add3A_40 = arith.constant 393216 : i32
    %add3A_41 = arith.addi %mul3A_16, %add3A_40 : i32
    %dma_start3A_42 = tpu.memref_slice %arg3[%add3A_41] : memref<67108864xf32, #tpu.memory_space<hbm>> -> memref<65536xf32, #tpu.memory_space<hbm>>
    %dma_start3A_43 = tpu.memref_slice %arg3[%add3A_41] : memref<67108864xf32, #tpu.memory_space<hbm>> -> memref<65536xf32, #tpu.memory_space<hbm>>
    tpu.enqueue_dma source(%arg5 : memref<65536xf32, #tpu.memory_space<vmem>>) target(%dma_start3A_43 : memref<65536xf32, #tpu.memory_space<hbm>>) target_semaphore(%arg6 : memref<!tpu.dma_semaphore, #tpu.memory_space<semaphore_mem>>)
    %add3A_44 = arith.constant 458752 : i32
    %add3A_45 = arith.addi %mul3A_16, %add3A_44 : i32
    %dma_start3A_46 = tpu.memref_slice %arg3[%add3A_45] : memref<67108864xf32, #tpu.memory_space<hbm>> -> memref<65536xf32, #tpu.memory_space<hbm>>
    %dma_start3A_47 = tpu.memref_slice %arg3[%add3A_45] : memref<67108864xf32, #tpu.memory_space<hbm>> -> memref<65536xf32, #tpu.memory_space<hbm>>
    tpu.enqueue_dma source(%arg5 : memref<65536xf32, #tpu.memory_space<vmem>>) target(%dma_start3A_47 : memref<65536xf32, #tpu.memory_space<hbm>>) target_semaphore(%arg6 : memref<!tpu.dma_semaphore, #tpu.memory_space<semaphore_mem>>)
    %add3A_48 = arith.constant 524288 : i32
    %add3A_49 = arith.addi %mul3A_16, %add3A_48 : i32
    %dma_start3A_50 = tpu.memref_slice %arg3[%add3A_49] : memref<67108864xf32, #tpu.memory_space<hbm>> -> memref<65536xf32, #tpu.memory_space<hbm>>
    %dma_start3A_51 = tpu.memref_slice %arg3[%add3A_49] : memref<67108864xf32, #tpu.memory_space<hbm>> -> memref<65536xf32, #tpu.memory_space<hbm>>
    tpu.enqueue_dma source(%arg5 : memref<65536xf32, #tpu.memory_space<vmem>>) target(%dma_start3A_51 : memref<65536xf32, #tpu.memory_space<hbm>>) target_semaphore(%arg6 : memref<!tpu.dma_semaphore, #tpu.memory_space<semaphore_mem>>)
    %add3A_52 = arith.constant 589824 : i32
    %add3A_53 = arith.addi %mul3A_16, %add3A_52 : i32
    %dma_start3A_54 = tpu.memref_slice %arg3[%add3A_53] : memref<67108864xf32, #tpu.memory_space<hbm>> -> memref<65536xf32, #tpu.memory_space<hbm>>
    %dma_start3A_55 = tpu.memref_slice %arg3[%add3A_53] : memref<67108864xf32, #tpu.memory_space<hbm>> -> memref<65536xf32, #tpu.memory_space<hbm>>
    tpu.enqueue_dma source(%arg5 : memref<65536xf32, #tpu.memory_space<vmem>>) target(%dma_start3A_55 : memref<65536xf32, #tpu.memory_space<hbm>>) target_semaphore(%arg6 : memref<!tpu.dma_semaphore, #tpu.memory_space<semaphore_mem>>)
    %add3A_56 = arith.constant 655360 : i32
    %add3A_57 = arith.addi %mul3A_16, %add3A_56 : i32
    %dma_start3A_58 = tpu.memref_slice %arg3[%add3A_57] : memref<67108864xf32, #tpu.memory_space<hbm>> -> memref<65536xf32, #tpu.memory_space<hbm>>
    %dma_start3A_59 = tpu.memref_slice %arg3[%add3A_57] : memref<67108864xf32, #tpu.memory_space<hbm>> -> memref<65536xf32, #tpu.memory_space<hbm>>
    tpu.enqueue_dma source(%arg5 : memref<65536xf32, #tpu.memory_space<vmem>>) target(%dma_start3A_59 : memref<65536xf32, #tpu.memory_space<hbm>>) target_semaphore(%arg6 : memref<!tpu.dma_semaphore, #tpu.memory_space<semaphore_mem>>)
    %add3A_60 = arith.constant 720896 : i32
    %add3A_61 = arith.addi %mul3A_16, %add3A_60 : i32
    %dma_start3A_62 = tpu.memref_slice %arg3[%add3A_61] : memref<67108864xf32, #tpu.memory_space<hbm>> -> memref<65536xf32, #tpu.memory_space<hbm>>
    %dma_start3A_63 = tpu.memref_slice %arg3[%add3A_61] : memref<67108864xf32, #tpu.memory_space<hbm>> -> memref<65536xf32, #tpu.memory_space<hbm>>
    tpu.enqueue_dma source(%arg5 : memref<65536xf32, #tpu.memory_space<vmem>>) target(%dma_start3A_63 : memref<65536xf32, #tpu.memory_space<hbm>>) target_semaphore(%arg6 : memref<!tpu.dma_semaphore, #tpu.memory_space<semaphore_mem>>)
    %add3A_64 = arith.constant 786432 : i32
    %add3A_65 = arith.addi %mul3A_16, %add3A_64 : i32
    %dma_start3A_66 = tpu.memref_slice %arg3[%add3A_65] : memref<67108864xf32, #tpu.memory_space<hbm>> -> memref<65536xf32, #tpu.memory_space<hbm>>
    %dma_start3A_67 = tpu.memref_slice %arg3[%add3A_65] : memref<67108864xf32, #tpu.memory_space<hbm>> -> memref<65536xf32, #tpu.memory_space<hbm>>
    tpu.enqueue_dma source(%arg5 : memref<65536xf32, #tpu.memory_space<vmem>>) target(%dma_start3A_67 : memref<65536xf32, #tpu.memory_space<hbm>>) target_semaphore(%arg6 : memref<!tpu.dma_semaphore, #tpu.memory_space<semaphore_mem>>)
    %add3A_68 = arith.constant 851968 : i32
    %add3A_69 = arith.addi %mul3A_16, %add3A_68 : i32
    %dma_start3A_70 = tpu.memref_slice %arg3[%add3A_69] : memref<67108864xf32, #tpu.memory_space<hbm>> -> memref<65536xf32, #tpu.memory_space<hbm>>
    %dma_start3A_71 = tpu.memref_slice %arg3[%add3A_69] : memref<67108864xf32, #tpu.memory_space<hbm>> -> memref<65536xf32, #tpu.memory_space<hbm>>
    tpu.enqueue_dma source(%arg5 : memref<65536xf32, #tpu.memory_space<vmem>>) target(%dma_start3A_71 : memref<65536xf32, #tpu.memory_space<hbm>>) target_semaphore(%arg6 : memref<!tpu.dma_semaphore, #tpu.memory_space<semaphore_mem>>)
    %add3A_72 = arith.constant 917504 : i32
    %add3A_73 = arith.addi %mul3A_16, %add3A_72 : i32
    %dma_start3A_74 = tpu.memref_slice %arg3[%add3A_73] : memref<67108864xf32, #tpu.memory_space<hbm>> -> memref<65536xf32, #tpu.memory_space<hbm>>
    %dma_start3A_75 = tpu.memref_slice %arg3[%add3A_73] : memref<67108864xf32, #tpu.memory_space<hbm>> -> memref<65536xf32, #tpu.memory_space<hbm>>
    tpu.enqueue_dma source(%arg5 : memref<65536xf32, #tpu.memory_space<vmem>>) target(%dma_start3A_75 : memref<65536xf32, #tpu.memory_space<hbm>>) target_semaphore(%arg6 : memref<!tpu.dma_semaphore, #tpu.memory_space<semaphore_mem>>)
    %add3A_76 = arith.constant 983040 : i32
    %add3A_77 = arith.addi %mul3A_16, %add3A_76 : i32
    %dma_start3A_78 = tpu.memref_slice %arg3[%add3A_77] : memref<67108864xf32, #tpu.memory_space<hbm>> -> memref<65536xf32, #tpu.memory_space<hbm>>
    %dma_start3A_79 = tpu.memref_slice %arg3[%add3A_77] : memref<67108864xf32, #tpu.memory_space<hbm>> -> memref<65536xf32, #tpu.memory_space<hbm>>
    tpu.enqueue_dma source(%arg5 : memref<65536xf32, #tpu.memory_space<vmem>>) target(%dma_start3A_79 : memref<65536xf32, #tpu.memory_space<hbm>>) target_semaphore(%arg6 : memref<!tpu.dma_semaphore, #tpu.memory_space<semaphore_mem>>)
    %add3A_80 = arith.constant 1048576 : i32
    %add3A_81 = arith.addi %mul3A_16, %add3A_80 : i32
    %dma_start3A_82 = tpu.memref_slice %arg3[%add3A_81] : memref<67108864xf32, #tpu.memory_space<hbm>> -> memref<65536xf32, #tpu.memory_space<hbm>>
    %dma_start3A_83 = tpu.memref_slice %arg3[%add3A_81] : memref<67108864xf32, #tpu.memory_space<hbm>> -> memref<65536xf32, #tpu.memory_space<hbm>>
    tpu.enqueue_dma source(%arg5 : memref<65536xf32, #tpu.memory_space<vmem>>) target(%dma_start3A_83 : memref<65536xf32, #tpu.memory_space<hbm>>) target_semaphore(%arg6 : memref<!tpu.dma_semaphore, #tpu.memory_space<semaphore_mem>>)
    %add3A_84 = arith.constant 1114112 : i32
    %add3A_85 = arith.addi %mul3A_16, %add3A_84 : i32
    %dma_start3A_86 = tpu.memref_slice %arg3[%add3A_85] : memref<67108864xf32, #tpu.memory_space<hbm>> -> memref<65536xf32, #tpu.memory_space<hbm>>
    %dma_start3A_87 = tpu.memref_slice %arg3[%add3A_85] : memref<67108864xf32, #tpu.memory_space<hbm>> -> memref<65536xf32, #tpu.memory_space<hbm>>
    tpu.enqueue_dma source(%arg5 : memref<65536xf32, #tpu.memory_space<vmem>>) target(%dma_start3A_87 : memref<65536xf32, #tpu.memory_space<hbm>>) target_semaphore(%arg6 : memref<!tpu.dma_semaphore, #tpu.memory_space<semaphore_mem>>)
    %add3A_88 = arith.constant 1179648 : i32
    %add3A_89 = arith.addi %mul3A_16, %add3A_88 : i32
    %dma_start3A_90 = tpu.memref_slice %arg3[%add3A_89] : memref<67108864xf32, #tpu.memory_space<hbm>> -> memref<65536xf32, #tpu.memory_space<hbm>>
    %dma_start3A_91 = tpu.memref_slice %arg3[%add3A_89] : memref<67108864xf32, #tpu.memory_space<hbm>> -> memref<65536xf32, #tpu.memory_space<hbm>>
    tpu.enqueue_dma source(%arg5 : memref<65536xf32, #tpu.memory_space<vmem>>) target(%dma_start3A_91 : memref<65536xf32, #tpu.memory_space<hbm>>) target_semaphore(%arg6 : memref<!tpu.dma_semaphore, #tpu.memory_space<semaphore_mem>>)
    %add3A_92 = arith.constant 1245184 : i32
    %add3A_93 = arith.addi %mul3A_16, %add3A_92 : i32
    %dma_start3A_94 = tpu.memref_slice %arg3[%add3A_93] : memref<67108864xf32, #tpu.memory_space<hbm>> -> memref<65536xf32, #tpu.memory_space<hbm>>
    %dma_start3A_95 = tpu.memref_slice %arg3[%add3A_93] : memref<67108864xf32, #tpu.memory_space<hbm>> -> memref<65536xf32, #tpu.memory_space<hbm>>
    tpu.enqueue_dma source(%arg5 : memref<65536xf32, #tpu.memory_space<vmem>>) target(%dma_start3A_95 : memref<65536xf32, #tpu.memory_space<hbm>>) target_semaphore(%arg6 : memref<!tpu.dma_semaphore, #tpu.memory_space<semaphore_mem>>)
    %add3A_96 = arith.constant 1310720 : i32
    %add3A_97 = arith.addi %mul3A_16, %add3A_96 : i32
    %dma_start3A_98 = tpu.memref_slice %arg3[%add3A_97] : memref<67108864xf32, #tpu.memory_space<hbm>> -> memref<65536xf32, #tpu.memory_space<hbm>>
    %dma_start3A_99 = tpu.memref_slice %arg3[%add3A_97] : memref<67108864xf32, #tpu.memory_space<hbm>> -> memref<65536xf32, #tpu.memory_space<hbm>>
    tpu.enqueue_dma source(%arg5 : memref<65536xf32, #tpu.memory_space<vmem>>) target(%dma_start3A_99 : memref<65536xf32, #tpu.memory_space<hbm>>) target_semaphore(%arg6 : memref<!tpu.dma_semaphore, #tpu.memory_space<semaphore_mem>>)
    %add3A_100 = arith.constant 1376256 : i32
    %add3A_101 = arith.addi %mul3A_16, %add3A_100 : i32
    %dma_start3A_102 = tpu.memref_slice %arg3[%add3A_101] : memref<67108864xf32, #tpu.memory_space<hbm>> -> memref<65536xf32, #tpu.memory_space<hbm>>
    %dma_start3A_103 = tpu.memref_slice %arg3[%add3A_101] : memref<67108864xf32, #tpu.memory_space<hbm>> -> memref<65536xf32, #tpu.memory_space<hbm>>
    tpu.enqueue_dma source(%arg5 : memref<65536xf32, #tpu.memory_space<vmem>>) target(%dma_start3A_103 : memref<65536xf32, #tpu.memory_space<hbm>>) target_semaphore(%arg6 : memref<!tpu.dma_semaphore, #tpu.memory_space<semaphore_mem>>)
    %add3A_104 = arith.constant 1441792 : i32
    %add3A_105 = arith.addi %mul3A_16, %add3A_104 : i32
    %dma_start3A_106 = tpu.memref_slice %arg3[%add3A_105] : memref<67108864xf32, #tpu.memory_space<hbm>> -> memref<65536xf32, #tpu.memory_space<hbm>>
    %dma_start3A_107 = tpu.memref_slice %arg3[%add3A_105] : memref<67108864xf32, #tpu.memory_space<hbm>> -> memref<65536xf32, #tpu.memory_space<hbm>>
    tpu.enqueue_dma source(%arg5 : memref<65536xf32, #tpu.memory_space<vmem>>) target(%dma_start3A_107 : memref<65536xf32, #tpu.memory_space<hbm>>) target_semaphore(%arg6 : memref<!tpu.dma_semaphore, #tpu.memory_space<semaphore_mem>>)
    %add3A_108 = arith.constant 1507328 : i32
    %add3A_109 = arith.addi %mul3A_16, %add3A_108 : i32
    %dma_start3A_110 = tpu.memref_slice %arg3[%add3A_109] : memref<67108864xf32, #tpu.memory_space<hbm>> -> memref<65536xf32, #tpu.memory_space<hbm>>
    %dma_start3A_111 = tpu.memref_slice %arg3[%add3A_109] : memref<67108864xf32, #tpu.memory_space<hbm>> -> memref<65536xf32, #tpu.memory_space<hbm>>
    tpu.enqueue_dma source(%arg5 : memref<65536xf32, #tpu.memory_space<vmem>>) target(%dma_start3A_111 : memref<65536xf32, #tpu.memory_space<hbm>>) target_semaphore(%arg6 : memref<!tpu.dma_semaphore, #tpu.memory_space<semaphore_mem>>)
    %add3A_112 = arith.constant 1572864 : i32
    %add3A_113 = arith.addi %mul3A_16, %add3A_112 : i32
    %dma_start3A_114 = tpu.memref_slice %arg3[%add3A_113] : memref<67108864xf32, #tpu.memory_space<hbm>> -> memref<65536xf32, #tpu.memory_space<hbm>>
    %dma_start3A_115 = tpu.memref_slice %arg3[%add3A_113] : memref<67108864xf32, #tpu.memory_space<hbm>> -> memref<65536xf32, #tpu.memory_space<hbm>>
    tpu.enqueue_dma source(%arg5 : memref<65536xf32, #tpu.memory_space<vmem>>) target(%dma_start3A_115 : memref<65536xf32, #tpu.memory_space<hbm>>) target_semaphore(%arg6 : memref<!tpu.dma_semaphore, #tpu.memory_space<semaphore_mem>>)
    %add3A_116 = arith.constant 1638400 : i32
    %add3A_117 = arith.addi %mul3A_16, %add3A_116 : i32
    %dma_start3A_118 = tpu.memref_slice %arg3[%add3A_117] : memref<67108864xf32, #tpu.memory_space<hbm>> -> memref<65536xf32, #tpu.memory_space<hbm>>
    %dma_start3A_119 = tpu.memref_slice %arg3[%add3A_117] : memref<67108864xf32, #tpu.memory_space<hbm>> -> memref<65536xf32, #tpu.memory_space<hbm>>
    tpu.enqueue_dma source(%arg5 : memref<65536xf32, #tpu.memory_space<vmem>>) target(%dma_start3A_119 : memref<65536xf32, #tpu.memory_space<hbm>>) target_semaphore(%arg6 : memref<!tpu.dma_semaphore, #tpu.memory_space<semaphore_mem>>)
    %add3A_120 = arith.constant 1703936 : i32
    %add3A_121 = arith.addi %mul3A_16, %add3A_120 : i32
    %dma_start3A_122 = tpu.memref_slice %arg3[%add3A_121] : memref<67108864xf32, #tpu.memory_space<hbm>> -> memref<65536xf32, #tpu.memory_space<hbm>>
    %dma_start3A_123 = tpu.memref_slice %arg3[%add3A_121] : memref<67108864xf32, #tpu.memory_space<hbm>> -> memref<65536xf32, #tpu.memory_space<hbm>>
    tpu.enqueue_dma source(%arg5 : memref<65536xf32, #tpu.memory_space<vmem>>) target(%dma_start3A_123 : memref<65536xf32, #tpu.memory_space<hbm>>) target_semaphore(%arg6 : memref<!tpu.dma_semaphore, #tpu.memory_space<semaphore_mem>>)
    %add3A_124 = arith.constant 1769472 : i32
    %add3A_125 = arith.addi %mul3A_16, %add3A_124 : i32
    %dma_start3A_126 = tpu.memref_slice %arg3[%add3A_125] : memref<67108864xf32, #tpu.memory_space<hbm>> -> memref<65536xf32, #tpu.memory_space<hbm>>
    %dma_start3A_127 = tpu.memref_slice %arg3[%add3A_125] : memref<67108864xf32, #tpu.memory_space<hbm>> -> memref<65536xf32, #tpu.memory_space<hbm>>
    tpu.enqueue_dma source(%arg5 : memref<65536xf32, #tpu.memory_space<vmem>>) target(%dma_start3A_127 : memref<65536xf32, #tpu.memory_space<hbm>>) target_semaphore(%arg6 : memref<!tpu.dma_semaphore, #tpu.memory_space<semaphore_mem>>)
    %add3A_128 = arith.constant 1835008 : i32
    %add3A_129 = arith.addi %mul3A_16, %add3A_128 : i32
    %dma_start3A_130 = tpu.memref_slice %arg3[%add3A_129] : memref<67108864xf32, #tpu.memory_space<hbm>> -> memref<65536xf32, #tpu.memory_space<hbm>>
    %dma_start3A_131 = tpu.memref_slice %arg3[%add3A_129] : memref<67108864xf32, #tpu.memory_space<hbm>> -> memref<65536xf32, #tpu.memory_space<hbm>>
    tpu.enqueue_dma source(%arg5 : memref<65536xf32, #tpu.memory_space<vmem>>) target(%dma_start3A_131 : memref<65536xf32, #tpu.memory_space<hbm>>) target_semaphore(%arg6 : memref<!tpu.dma_semaphore, #tpu.memory_space<semaphore_mem>>)
    %add3A_132 = arith.constant 1900544 : i32
    %add3A_133 = arith.addi %mul3A_16, %add3A_132 : i32
    %dma_start3A_134 = tpu.memref_slice %arg3[%add3A_133] : memref<67108864xf32, #tpu.memory_space<hbm>> -> memref<65536xf32, #tpu.memory_space<hbm>>
    %dma_start3A_135 = tpu.memref_slice %arg3[%add3A_133] : memref<67108864xf32, #tpu.memory_space<hbm>> -> memref<65536xf32, #tpu.memory_space<hbm>>
    tpu.enqueue_dma source(%arg5 : memref<65536xf32, #tpu.memory_space<vmem>>) target(%dma_start3A_135 : memref<65536xf32, #tpu.memory_space<hbm>>) target_semaphore(%arg6 : memref<!tpu.dma_semaphore, #tpu.memory_space<semaphore_mem>>)
    %add3A_136 = arith.constant 1966080 : i32
    %add3A_137 = arith.addi %mul3A_16, %add3A_136 : i32
    %dma_start3A_138 = tpu.memref_slice %arg3[%add3A_137] : memref<67108864xf32, #tpu.memory_space<hbm>> -> memref<65536xf32, #tpu.memory_space<hbm>>
    %dma_start3A_139 = tpu.memref_slice %arg3[%add3A_137] : memref<67108864xf32, #tpu.memory_space<hbm>> -> memref<65536xf32, #tpu.memory_space<hbm>>
    tpu.enqueue_dma source(%arg5 : memref<65536xf32, #tpu.memory_space<vmem>>) target(%dma_start3A_139 : memref<65536xf32, #tpu.memory_space<hbm>>) target_semaphore(%arg6 : memref<!tpu.dma_semaphore, #tpu.memory_space<semaphore_mem>>)
    %add3A_140 = arith.constant 2031616 : i32
    %add3A_141 = arith.addi %mul3A_16, %add3A_140 : i32
    %dma_start3A_142 = tpu.memref_slice %arg3[%add3A_141] : memref<67108864xf32, #tpu.memory_space<hbm>> -> memref<65536xf32, #tpu.memory_space<hbm>>
    %dma_start3A_143 = tpu.memref_slice %arg3[%add3A_141] : memref<67108864xf32, #tpu.memory_space<hbm>> -> memref<65536xf32, #tpu.memory_space<hbm>>
    tpu.enqueue_dma source(%arg5 : memref<65536xf32, #tpu.memory_space<vmem>>) target(%dma_start3A_143 : memref<65536xf32, #tpu.memory_space<hbm>>) target_semaphore(%arg6 : memref<!tpu.dma_semaphore, #tpu.memory_space<semaphore_mem>>)
    %dma_wait3A = tpu.memref_slice %arg3[%add3A_18] : memref<67108864xf32, #tpu.memory_space<hbm>> -> memref<65536xf32, #tpu.memory_space<hbm>>
    %dma_wait3A_144 = tpu.memref_slice %arg3[%add3A_18] : memref<67108864xf32, #tpu.memory_space<hbm>> -> memref<65536xf32, #tpu.memory_space<hbm>>
    tpu.wait_dma2 semaphore(%arg6 : memref<!tpu.dma_semaphore, #tpu.memory_space<semaphore_mem>>) src(%arg5 : memref<65536xf32, #tpu.memory_space<vmem>>) dst(%dma_wait3A_144 : memref<65536xf32, #tpu.memory_space<hbm>>)
    %dma_wait3A_145 = tpu.memref_slice %arg3[%add3A_21] : memref<67108864xf32, #tpu.memory_space<hbm>> -> memref<65536xf32, #tpu.memory_space<hbm>>
    %dma_wait3A_146 = tpu.memref_slice %arg3[%add3A_21] : memref<67108864xf32, #tpu.memory_space<hbm>> -> memref<65536xf32, #tpu.memory_space<hbm>>
    tpu.wait_dma2 semaphore(%arg6 : memref<!tpu.dma_semaphore, #tpu.memory_space<semaphore_mem>>) src(%arg5 : memref<65536xf32, #tpu.memory_space<vmem>>) dst(%dma_wait3A_146 : memref<65536xf32, #tpu.memory_space<hbm>>)
    %dma_wait3A_147 = tpu.memref_slice %arg3[%add3A_25] : memref<67108864xf32, #tpu.memory_space<hbm>> -> memref<65536xf32, #tpu.memory_space<hbm>>
    %dma_wait3A_148 = tpu.memref_slice %arg3[%add3A_25] : memref<67108864xf32, #tpu.memory_space<hbm>> -> memref<65536xf32, #tpu.memory_space<hbm>>
    tpu.wait_dma2 semaphore(%arg6 : memref<!tpu.dma_semaphore, #tpu.memory_space<semaphore_mem>>) src(%arg5 : memref<65536xf32, #tpu.memory_space<vmem>>) dst(%dma_wait3A_148 : memref<65536xf32, #tpu.memory_space<hbm>>)
    %dma_wait3A_149 = tpu.memref_slice %arg3[%add3A_29] : memref<67108864xf32, #tpu.memory_space<hbm>> -> memref<65536xf32, #tpu.memory_space<hbm>>
    %dma_wait3A_150 = tpu.memref_slice %arg3[%add3A_29] : memref<67108864xf32, #tpu.memory_space<hbm>> -> memref<65536xf32, #tpu.memory_space<hbm>>
    tpu.wait_dma2 semaphore(%arg6 : memref<!tpu.dma_semaphore, #tpu.memory_space<semaphore_mem>>) src(%arg5 : memref<65536xf32, #tpu.memory_space<vmem>>) dst(%dma_wait3A_150 : memref<65536xf32, #tpu.memory_space<hbm>>)
    %dma_wait3A_151 = tpu.memref_slice %arg3[%add3A_33] : memref<67108864xf32, #tpu.memory_space<hbm>> -> memref<65536xf32, #tpu.memory_space<hbm>>
    %dma_wait3A_152 = tpu.memref_slice %arg3[%add3A_33] : memref<67108864xf32, #tpu.memory_space<hbm>> -> memref<65536xf32, #tpu.memory_space<hbm>>
    tpu.wait_dma2 semaphore(%arg6 : memref<!tpu.dma_semaphore, #tpu.memory_space<semaphore_mem>>) src(%arg5 : memref<65536xf32, #tpu.memory_space<vmem>>) dst(%dma_wait3A_152 : memref<65536xf32, #tpu.memory_space<hbm>>)
    %dma_wait3A_153 = tpu.memref_slice %arg3[%add3A_37] : memref<67108864xf32, #tpu.memory_space<hbm>> -> memref<65536xf32, #tpu.memory_space<hbm>>
    %dma_wait3A_154 = tpu.memref_slice %arg3[%add3A_37] : memref<67108864xf32, #tpu.memory_space<hbm>> -> memref<65536xf32, #tpu.memory_space<hbm>>
    tpu.wait_dma2 semaphore(%arg6 : memref<!tpu.dma_semaphore, #tpu.memory_space<semaphore_mem>>) src(%arg5 : memref<65536xf32, #tpu.memory_space<vmem>>) dst(%dma_wait3A_154 : memref<65536xf32, #tpu.memory_space<hbm>>)
    %dma_wait3A_155 = tpu.memref_slice %arg3[%add3A_41] : memref<67108864xf32, #tpu.memory_space<hbm>> -> memref<65536xf32, #tpu.memory_space<hbm>>
    %dma_wait3A_156 = tpu.memref_slice %arg3[%add3A_41] : memref<67108864xf32, #tpu.memory_space<hbm>> -> memref<65536xf32, #tpu.memory_space<hbm>>
    tpu.wait_dma2 semaphore(%arg6 : memref<!tpu.dma_semaphore, #tpu.memory_space<semaphore_mem>>) src(%arg5 : memref<65536xf32, #tpu.memory_space<vmem>>) dst(%dma_wait3A_156 : memref<65536xf32, #tpu.memory_space<hbm>>)
    %dma_wait3A_157 = tpu.memref_slice %arg3[%add3A_45] : memref<67108864xf32, #tpu.memory_space<hbm>> -> memref<65536xf32, #tpu.memory_space<hbm>>
    %dma_wait3A_158 = tpu.memref_slice %arg3[%add3A_45] : memref<67108864xf32, #tpu.memory_space<hbm>> -> memref<65536xf32, #tpu.memory_space<hbm>>
    tpu.wait_dma2 semaphore(%arg6 : memref<!tpu.dma_semaphore, #tpu.memory_space<semaphore_mem>>) src(%arg5 : memref<65536xf32, #tpu.memory_space<vmem>>) dst(%dma_wait3A_158 : memref<65536xf32, #tpu.memory_space<hbm>>)
    %dma_wait3A_159 = tpu.memref_slice %arg3[%add3A_49] : memref<67108864xf32, #tpu.memory_space<hbm>> -> memref<65536xf32, #tpu.memory_space<hbm>>
    %dma_wait3A_160 = tpu.memref_slice %arg3[%add3A_49] : memref<67108864xf32, #tpu.memory_space<hbm>> -> memref<65536xf32, #tpu.memory_space<hbm>>
    tpu.wait_dma2 semaphore(%arg6 : memref<!tpu.dma_semaphore, #tpu.memory_space<semaphore_mem>>) src(%arg5 : memref<65536xf32, #tpu.memory_space<vmem>>) dst(%dma_wait3A_160 : memref<65536xf32, #tpu.memory_space<hbm>>)
    %dma_wait3A_161 = tpu.memref_slice %arg3[%add3A_53] : memref<67108864xf32, #tpu.memory_space<hbm>> -> memref<65536xf32, #tpu.memory_space<hbm>>
    %dma_wait3A_162 = tpu.memref_slice %arg3[%add3A_53] : memref<67108864xf32, #tpu.memory_space<hbm>> -> memref<65536xf32, #tpu.memory_space<hbm>>
    tpu.wait_dma2 semaphore(%arg6 : memref<!tpu.dma_semaphore, #tpu.memory_space<semaphore_mem>>) src(%arg5 : memref<65536xf32, #tpu.memory_space<vmem>>) dst(%dma_wait3A_162 : memref<65536xf32, #tpu.memory_space<hbm>>)
    %dma_wait3A_163 = tpu.memref_slice %arg3[%add3A_57] : memref<67108864xf32, #tpu.memory_space<hbm>> -> memref<65536xf32, #tpu.memory_space<hbm>>
    %dma_wait3A_164 = tpu.memref_slice %arg3[%add3A_57] : memref<67108864xf32, #tpu.memory_space<hbm>> -> memref<65536xf32, #tpu.memory_space<hbm>>
    tpu.wait_dma2 semaphore(%arg6 : memref<!tpu.dma_semaphore, #tpu.memory_space<semaphore_mem>>) src(%arg5 : memref<65536xf32, #tpu.memory_space<vmem>>) dst(%dma_wait3A_164 : memref<65536xf32, #tpu.memory_space<hbm>>)
    %dma_wait3A_165 = tpu.memref_slice %arg3[%add3A_61] : memref<67108864xf32, #tpu.memory_space<hbm>> -> memref<65536xf32, #tpu.memory_space<hbm>>
    %dma_wait3A_166 = tpu.memref_slice %arg3[%add3A_61] : memref<67108864xf32, #tpu.memory_space<hbm>> -> memref<65536xf32, #tpu.memory_space<hbm>>
    tpu.wait_dma2 semaphore(%arg6 : memref<!tpu.dma_semaphore, #tpu.memory_space<semaphore_mem>>) src(%arg5 : memref<65536xf32, #tpu.memory_space<vmem>>) dst(%dma_wait3A_166 : memref<65536xf32, #tpu.memory_space<hbm>>)
    %dma_wait3A_167 = tpu.memref_slice %arg3[%add3A_65] : memref<67108864xf32, #tpu.memory_space<hbm>> -> memref<65536xf32, #tpu.memory_space<hbm>>
    %dma_wait3A_168 = tpu.memref_slice %arg3[%add3A_65] : memref<67108864xf32, #tpu.memory_space<hbm>> -> memref<65536xf32, #tpu.memory_space<hbm>>
    tpu.wait_dma2 semaphore(%arg6 : memref<!tpu.dma_semaphore, #tpu.memory_space<semaphore_mem>>) src(%arg5 : memref<65536xf32, #tpu.memory_space<vmem>>) dst(%dma_wait3A_168 : memref<65536xf32, #tpu.memory_space<hbm>>)
    %dma_wait3A_169 = tpu.memref_slice %arg3[%add3A_69] : memref<67108864xf32, #tpu.memory_space<hbm>> -> memref<65536xf32, #tpu.memory_space<hbm>>
    %dma_wait3A_170 = tpu.memref_slice %arg3[%add3A_69] : memref<67108864xf32, #tpu.memory_space<hbm>> -> memref<65536xf32, #tpu.memory_space<hbm>>
    tpu.wait_dma2 semaphore(%arg6 : memref<!tpu.dma_semaphore, #tpu.memory_space<semaphore_mem>>) src(%arg5 : memref<65536xf32, #tpu.memory_space<vmem>>) dst(%dma_wait3A_170 : memref<65536xf32, #tpu.memory_space<hbm>>)
    %dma_wait3A_171 = tpu.memref_slice %arg3[%add3A_73] : memref<67108864xf32, #tpu.memory_space<hbm>> -> memref<65536xf32, #tpu.memory_space<hbm>>
    %dma_wait3A_172 = tpu.memref_slice %arg3[%add3A_73] : memref<67108864xf32, #tpu.memory_space<hbm>> -> memref<65536xf32, #tpu.memory_space<hbm>>
    tpu.wait_dma2 semaphore(%arg6 : memref<!tpu.dma_semaphore, #tpu.memory_space<semaphore_mem>>) src(%arg5 : memref<65536xf32, #tpu.memory_space<vmem>>) dst(%dma_wait3A_172 : memref<65536xf32, #tpu.memory_space<hbm>>)
    %dma_wait3A_173 = tpu.memref_slice %arg3[%add3A_77] : memref<67108864xf32, #tpu.memory_space<hbm>> -> memref<65536xf32, #tpu.memory_space<hbm>>
    %dma_wait3A_174 = tpu.memref_slice %arg3[%add3A_77] : memref<67108864xf32, #tpu.memory_space<hbm>> -> memref<65536xf32, #tpu.memory_space<hbm>>
    tpu.wait_dma2 semaphore(%arg6 : memref<!tpu.dma_semaphore, #tpu.memory_space<semaphore_mem>>) src(%arg5 : memref<65536xf32, #tpu.memory_space<vmem>>) dst(%dma_wait3A_174 : memref<65536xf32, #tpu.memory_space<hbm>>)
    %dma_wait3A_175 = tpu.memref_slice %arg3[%add3A_81] : memref<67108864xf32, #tpu.memory_space<hbm>> -> memref<65536xf32, #tpu.memory_space<hbm>>
    %dma_wait3A_176 = tpu.memref_slice %arg3[%add3A_81] : memref<67108864xf32, #tpu.memory_space<hbm>> -> memref<65536xf32, #tpu.memory_space<hbm>>
    tpu.wait_dma2 semaphore(%arg6 : memref<!tpu.dma_semaphore, #tpu.memory_space<semaphore_mem>>) src(%arg5 : memref<65536xf32, #tpu.memory_space<vmem>>) dst(%dma_wait3A_176 : memref<65536xf32, #tpu.memory_space<hbm>>)
    %dma_wait3A_177 = tpu.memref_slice %arg3[%add3A_85] : memref<67108864xf32, #tpu.memory_space<hbm>> -> memref<65536xf32, #tpu.memory_space<hbm>>
    %dma_wait3A_178 = tpu.memref_slice %arg3[%add3A_85] : memref<67108864xf32, #tpu.memory_space<hbm>> -> memref<65536xf32, #tpu.memory_space<hbm>>
    tpu.wait_dma2 semaphore(%arg6 : memref<!tpu.dma_semaphore, #tpu.memory_space<semaphore_mem>>) src(%arg5 : memref<65536xf32, #tpu.memory_space<vmem>>) dst(%dma_wait3A_178 : memref<65536xf32, #tpu.memory_space<hbm>>)
    %dma_wait3A_179 = tpu.memref_slice %arg3[%add3A_89] : memref<67108864xf32, #tpu.memory_space<hbm>> -> memref<65536xf32, #tpu.memory_space<hbm>>
    %dma_wait3A_180 = tpu.memref_slice %arg3[%add3A_89] : memref<67108864xf32, #tpu.memory_space<hbm>> -> memref<65536xf32, #tpu.memory_space<hbm>>
    tpu.wait_dma2 semaphore(%arg6 : memref<!tpu.dma_semaphore, #tpu.memory_space<semaphore_mem>>) src(%arg5 : memref<65536xf32, #tpu.memory_space<vmem>>) dst(%dma_wait3A_180 : memref<65536xf32, #tpu.memory_space<hbm>>)
    %dma_wait3A_181 = tpu.memref_slice %arg3[%add3A_93] : memref<67108864xf32, #tpu.memory_space<hbm>> -> memref<65536xf32, #tpu.memory_space<hbm>>
    %dma_wait3A_182 = tpu.memref_slice %arg3[%add3A_93] : memref<67108864xf32, #tpu.memory_space<hbm>> -> memref<65536xf32, #tpu.memory_space<hbm>>
    tpu.wait_dma2 semaphore(%arg6 : memref<!tpu.dma_semaphore, #tpu.memory_space<semaphore_mem>>) src(%arg5 : memref<65536xf32, #tpu.memory_space<vmem>>) dst(%dma_wait3A_182 : memref<65536xf32, #tpu.memory_space<hbm>>)
    %dma_wait3A_183 = tpu.memref_slice %arg3[%add3A_97] : memref<67108864xf32, #tpu.memory_space<hbm>> -> memref<65536xf32, #tpu.memory_space<hbm>>
    %dma_wait3A_184 = tpu.memref_slice %arg3[%add3A_97] : memref<67108864xf32, #tpu.memory_space<hbm>> -> memref<65536xf32, #tpu.memory_space<hbm>>
    tpu.wait_dma2 semaphore(%arg6 : memref<!tpu.dma_semaphore, #tpu.memory_space<semaphore_mem>>) src(%arg5 : memref<65536xf32, #tpu.memory_space<vmem>>) dst(%dma_wait3A_184 : memref<65536xf32, #tpu.memory_space<hbm>>)
    %dma_wait3A_185 = tpu.memref_slice %arg3[%add3A_101] : memref<67108864xf32, #tpu.memory_space<hbm>> -> memref<65536xf32, #tpu.memory_space<hbm>>
    %dma_wait3A_186 = tpu.memref_slice %arg3[%add3A_101] : memref<67108864xf32, #tpu.memory_space<hbm>> -> memref<65536xf32, #tpu.memory_space<hbm>>
    tpu.wait_dma2 semaphore(%arg6 : memref<!tpu.dma_semaphore, #tpu.memory_space<semaphore_mem>>) src(%arg5 : memref<65536xf32, #tpu.memory_space<vmem>>) dst(%dma_wait3A_186 : memref<65536xf32, #tpu.memory_space<hbm>>)
    %dma_wait3A_187 = tpu.memref_slice %arg3[%add3A_105] : memref<67108864xf32, #tpu.memory_space<hbm>> -> memref<65536xf32, #tpu.memory_space<hbm>>
    %dma_wait3A_188 = tpu.memref_slice %arg3[%add3A_105] : memref<67108864xf32, #tpu.memory_space<hbm>> -> memref<65536xf32, #tpu.memory_space<hbm>>
    tpu.wait_dma2 semaphore(%arg6 : memref<!tpu.dma_semaphore, #tpu.memory_space<semaphore_mem>>) src(%arg5 : memref<65536xf32, #tpu.memory_space<vmem>>) dst(%dma_wait3A_188 : memref<65536xf32, #tpu.memory_space<hbm>>)
    %dma_wait3A_189 = tpu.memref_slice %arg3[%add3A_109] : memref<67108864xf32, #tpu.memory_space<hbm>> -> memref<65536xf32, #tpu.memory_space<hbm>>
    %dma_wait3A_190 = tpu.memref_slice %arg3[%add3A_109] : memref<67108864xf32, #tpu.memory_space<hbm>> -> memref<65536xf32, #tpu.memory_space<hbm>>
    tpu.wait_dma2 semaphore(%arg6 : memref<!tpu.dma_semaphore, #tpu.memory_space<semaphore_mem>>) src(%arg5 : memref<65536xf32, #tpu.memory_space<vmem>>) dst(%dma_wait3A_190 : memref<65536xf32, #tpu.memory_space<hbm>>)
    %dma_wait3A_191 = tpu.memref_slice %arg3[%add3A_113] : memref<67108864xf32, #tpu.memory_space<hbm>> -> memref<65536xf32, #tpu.memory_space<hbm>>
    %dma_wait3A_192 = tpu.memref_slice %arg3[%add3A_113] : memref<67108864xf32, #tpu.memory_space<hbm>> -> memref<65536xf32, #tpu.memory_space<hbm>>
    tpu.wait_dma2 semaphore(%arg6 : memref<!tpu.dma_semaphore, #tpu.memory_space<semaphore_mem>>) src(%arg5 : memref<65536xf32, #tpu.memory_space<vmem>>) dst(%dma_wait3A_192 : memref<65536xf32, #tpu.memory_space<hbm>>)
    %dma_wait3A_193 = tpu.memref_slice %arg3[%add3A_117] : memref<67108864xf32, #tpu.memory_space<hbm>> -> memref<65536xf32, #tpu.memory_space<hbm>>
    %dma_wait3A_194 = tpu.memref_slice %arg3[%add3A_117] : memref<67108864xf32, #tpu.memory_space<hbm>> -> memref<65536xf32, #tpu.memory_space<hbm>>
    tpu.wait_dma2 semaphore(%arg6 : memref<!tpu.dma_semaphore, #tpu.memory_space<semaphore_mem>>) src(%arg5 : memref<65536xf32, #tpu.memory_space<vmem>>) dst(%dma_wait3A_194 : memref<65536xf32, #tpu.memory_space<hbm>>)
    %dma_wait3A_195 = tpu.memref_slice %arg3[%add3A_121] : memref<67108864xf32, #tpu.memory_space<hbm>> -> memref<65536xf32, #tpu.memory_space<hbm>>
    %dma_wait3A_196 = tpu.memref_slice %arg3[%add3A_121] : memref<67108864xf32, #tpu.memory_space<hbm>> -> memref<65536xf32, #tpu.memory_space<hbm>>
    tpu.wait_dma2 semaphore(%arg6 : memref<!tpu.dma_semaphore, #tpu.memory_space<semaphore_mem>>) src(%arg5 : memref<65536xf32, #tpu.memory_space<vmem>>) dst(%dma_wait3A_196 : memref<65536xf32, #tpu.memory_space<hbm>>)
    %dma_wait3A_197 = tpu.memref_slice %arg3[%add3A_125] : memref<67108864xf32, #tpu.memory_space<hbm>> -> memref<65536xf32, #tpu.memory_space<hbm>>
    %dma_wait3A_198 = tpu.memref_slice %arg3[%add3A_125] : memref<67108864xf32, #tpu.memory_space<hbm>> -> memref<65536xf32, #tpu.memory_space<hbm>>
    tpu.wait_dma2 semaphore(%arg6 : memref<!tpu.dma_semaphore, #tpu.memory_space<semaphore_mem>>) src(%arg5 : memref<65536xf32, #tpu.memory_space<vmem>>) dst(%dma_wait3A_198 : memref<65536xf32, #tpu.memory_space<hbm>>)
    %dma_wait3A_199 = tpu.memref_slice %arg3[%add3A_129] : memref<67108864xf32, #tpu.memory_space<hbm>> -> memref<65536xf32, #tpu.memory_space<hbm>>
    %dma_wait3A_200 = tpu.memref_slice %arg3[%add3A_129] : memref<67108864xf32, #tpu.memory_space<hbm>> -> memref<65536xf32, #tpu.memory_space<hbm>>
    tpu.wait_dma2 semaphore(%arg6 : memref<!tpu.dma_semaphore, #tpu.memory_space<semaphore_mem>>) src(%arg5 : memref<65536xf32, #tpu.memory_space<vmem>>) dst(%dma_wait3A_200 : memref<65536xf32, #tpu.memory_space<hbm>>)
    %dma_wait3A_201 = tpu.memref_slice %arg3[%add3A_133] : memref<67108864xf32, #tpu.memory_space<hbm>> -> memref<65536xf32, #tpu.memory_space<hbm>>
    %dma_wait3A_202 = tpu.memref_slice %arg3[%add3A_133] : memref<67108864xf32, #tpu.memory_space<hbm>> -> memref<65536xf32, #tpu.memory_space<hbm>>
    tpu.wait_dma2 semaphore(%arg6 : memref<!tpu.dma_semaphore, #tpu.memory_space<semaphore_mem>>) src(%arg5 : memref<65536xf32, #tpu.memory_space<vmem>>) dst(%dma_wait3A_202 : memref<65536xf32, #tpu.memory_space<hbm>>)
    %dma_wait3A_203 = tpu.memref_slice %arg3[%add3A_137] : memref<67108864xf32, #tpu.memory_space<hbm>> -> memref<65536xf32, #tpu.memory_space<hbm>>
    %dma_wait3A_204 = tpu.memref_slice %arg3[%add3A_137] : memref<67108864xf32, #tpu.memory_space<hbm>> -> memref<65536xf32, #tpu.memory_space<hbm>>
    tpu.wait_dma2 semaphore(%arg6 : memref<!tpu.dma_semaphore, #tpu.memory_space<semaphore_mem>>) src(%arg5 : memref<65536xf32, #tpu.memory_space<vmem>>) dst(%dma_wait3A_204 : memref<65536xf32, #tpu.memory_space<hbm>>)
    %dma_wait3A_205 = tpu.memref_slice %arg3[%add3A_141] : memref<67108864xf32, #tpu.memory_space<hbm>> -> memref<65536xf32, #tpu.memory_space<hbm>>
    %dma_wait3A_206 = tpu.memref_slice %arg3[%add3A_141] : memref<67108864xf32, #tpu.memory_space<hbm>> -> memref<65536xf32, #tpu.memory_space<hbm>>
    tpu.wait_dma2 semaphore(%arg6 : memref<!tpu.dma_semaphore, #tpu.memory_space<semaphore_mem>>) src(%arg5 : memref<65536xf32, #tpu.memory_space<vmem>>) dst(%dma_wait3A_206 : memref<65536xf32, #tpu.memory_space<hbm>>)
    return
  }
}

</mosaic_0001>

<sc_bundles>
// kernel: _sc_call.3.cloned.1.call-start
scs
__scs_entry_jumppad:
0x0: {  	(pc) =	sbr.rel $0x88, $3  }
0x1: {  	(tag) =	ssettag $0x0;
	lr =	simm.s32 $0x1  }
0x2: {  	[smem:$0x3FA0] =	sst lr;
	_ =	strace $0xD0000000  }
0x3: {  	_ = 	snop  }
0x4: {  	_ = 	snop  }
0x5: {  	_ = 	snop  }
0x6: {  	_ = 	snop  }
0x7: {  	_ = 	snop  }
__scs_overlays_trampoline_lowered:
0x8: {  	[smem:$0x3FAF] =	sst s0  }
0x9: {  	[smem:$0x3FB0] =	sst s1  }
0xa: {  	[smem:$0x3FB1] =	sst s2  }
0xb: {  	[smem:$0x3FB2] =	sst s3  }
0xc: {  	[smem:$0x3FB3] =	sst s4  }
0xd: {  	[smem:$0x3FB4] =	sst s5  }
0xe: {  	[smem:$0x3FB5] =	sst s6  }
0xf: {  	[smem:$0x3FB6] =	sst s7  }
0x10: {  	[smem:$0x3FB7] =	sst s8  }
0x11: {  	[smem:$0x3FB8] =	sst s9;
	s0 =	simm.s32 @!p0 $0x0  }
0x12: {  	s1 =	sld [smem:$0x3F9E];
	s0 =	simm.s32 @p0 $0x1  }
0x13: {  	[smem:$0x3FB9] =	sst s0;
	s0 =	simm.s32 @!p1 $0x0  }
0x14: {  	s2 =	sld [smem:$0x3F9D];
	s0 =	simm.s32 @p1 $0x1  }
0x15: {  	[smem:$0x3FBA] =	sst s0;
	s0 =	simm.s32 @!p2 $0x0  }
0x16: {  	s3 =	sld [smem:$0x3FDB];
	s0 =	simm.s32 @p2 $0x1  }
0x17: {  	s4 =	simm.s32 $0x1BF5;
	[smem:$0x3FBC] =	sst s0  }
0x18: {  	s0 =	sld [smem:$0x3F9F];
	_ =	swait.ge [sflag:s4], $0x0  }
0x19: {  	s7 =	sld [smem:$0x3FA0]  }
0x1a: {  	s8 =	sadd.s32 $0xFFFFE003, lr  }
0x1b: {  	s9 =	sadd.s32 $0xFFFFFEF7, lr;
	s5 =	simm.s32 $0xFFFFFFFF;
	p2 =	slt.u32 s8, $0xFFFFF086  }
0x1c: {  	p1 =	slt.u32 s9, $0xF7A;
	s5 =	simm.s32 @!p2 $0x0  }
0x1d: {  	s5 =	simm.s32 @p1 $0x1;
	p0 =	seq.s32 s7, s2  }
0x1e: {  	s7 =	smul.u32 @!p0 $0xF7A, s2;
	p2 =	seq.s32 @!p0 s5, $0x0  }
0x1f: {  	s9 =	smul.u32 $0xF7A, s1;
	s8 =	simm.s32 @!p0 $0x1BF5;
	p2 =	por !p2, p0  }
0x20: {  	[sflag:s8] =	ssyncset.s32 @!p0 $0xFFFFF086;
	s6 =	sadd.s32 @!p0 s3, s7;
	s7 =	simm.s32 @!p0 $0x108  }
0x21: {  	s3 =	sadd.s32 s3, s9;
	s6 =	sadd.s32 @!p0 $0x88, s6;
	s7 =	simm.s32 @p2 $0x1082  }
0x22: {  	[simem:s7], [sflag:s8] =	dma.local @!p0 [hbm:s6], $0xF7A  }
0x23: {  	s9 =	sor.u32 $0xD0000000, s2;
	s6 =	simm.s32 $0x108;
	_ =	swait.ge @!p0 [sflag:s8], $0x0  }
0x24: {  	s3 =	sadd.s32 $0x88, s3;
	s6 =	simm.s32 @!p1 $0x1082;
	[sflag:s4] =	ssyncset.s32 $0xFFFFF086  }
0x25: {  	[simem:s6], [sflag:s4] =	dma.local [hbm:s3], $0xF7A  }
0x26: {  	[smem:$0x3FA0] =	sst s1;
	(tag) =	ssettag s2;
	_ =	strace s9  }
0x27: {  	s1 =	sld [smem:$0x3FB0]  }
0x28: {  	s2 =	sld [smem:$0x3FB1]  }
0x29: {  	s4 =	sld [smem:$0x3FB3]  }
0x2a: {  	p0 =	seq.s32 s5, $0x0;
	s5 =	sld [smem:$0x3FB4]  }
0x2b: {  	s6 =	sld [smem:$0x3FB5]  }
0x2c: {  	s7 =	sld [smem:$0x3FB6]  }
0x2d: {  	s3 =	simm.s32 $0x108;
	s8 =	sld [smem:$0x3FB7]  }
0x2e: {  	s3 =	simm.s32 @!p0 $0x1082;
	s9 =	sld [smem:$0x3FB8]  }
0x2f: {  	lr =	sadd.s32 s0, s3;
	s0 =	sld [smem:$0x3FAF]  }
0x30: {  	s3 =	sld [smem:$0x3FB2]  }
0x31: {  	[smem:$0x3FBB] =	sst s10  }
0x32: {  	s10 =	sld [smem:$0x3FB9];
	_ =	sdelay $0x3  }
0x33: {  	p0 =	seq.s32 s10, $0x1;
	s10 =	sld [smem:$0x3FBB];
	_ =	sdelay $0x3  }
0x34: {  	[smem:$0x3FBB] =	sst s10  }
0x35: {  	s10 =	sld [smem:$0x3FBA];
	_ =	sdelay $0x3  }
0x36: {  	p1 =	seq.s32 s10, $0x1;
	s10 =	sld [smem:$0x3FBB];
	_ =	sdelay $0x3  }
0x37: {  	[smem:$0x3FBB] =	sst s10  }
0x38: {  	s10 =	sld [smem:$0x3FBC]  }
0x39: {  	_ = 	snop;
	(pc) =	sbr.ind lr, $3  }
0x3a: {  	_ = 	snop  }
0x3b: {  	_ = 	snop  }
0x3c: {  	p2 =	seq.s32 s10, $0x1;
	s10 =	sld [smem:$0x3FBB]  }
0x3d: {  	_ =	shalt  }
0x3e: {  	_ =	shalt  }
0x3f: {  	_ =	shalt  }
0x40: {  	_ =	shalt  }
0x41: {  	_ =	shalt  }
0x42: {  	_ =	shalt  }
0x43: {  	_ =	shalt  }
0x44: {  	_ =	shalt  }
0x45: {  	_ =	shalt  }
0x46: {  	_ =	shalt  }
0x47: {  	_ =	shalt  }
0x48: {  	_ =	shalt  }
0x49: {  	_ =	shalt  }
0x4a: {  	_ =	shalt  }
0x4b: {  	_ =	shalt  }
0x4c: {  	_ =	shalt  }
0x4d: {  	_ =	shalt  }
0x4e: {  	_ =	shalt  }
0x4f: {  	_ =	shalt  }
0x50: {  	_ =	shalt  }
0x51: {  	_ =	shalt  }
0x52: {  	_ =	shalt  }
0x53: {  	_ =	shalt  }
0x54: {  	_ =	shalt  }
0x55: {  	_ =	shalt  }
0x56: {  	_ =	shalt  }
0x57: {  	_ =	shalt  }
0x58: {  	_ =	shalt  }
0x59: {  	_ =	shalt  }
0x5a: {  	_ =	shalt  }
0x5b: {  	_ =	shalt  }
0x5c: {  	_ =	shalt  }
0x5d: {  	_ =	shalt  }
0x5e: {  	_ =	shalt  }
0x5f: {  	_ =	shalt  }
0x60: {  	_ =	shalt  }
0x61: {  	_ =	shalt  }
0x62: {  	_ =	shalt  }
0x63: {  	_ =	shalt  }
0x64: {  	_ =	shalt  }
0x65: {  	_ =	shalt  }
0x66: {  	_ =	shalt  }
0x67: {  	_ =	shalt  }
0x68: {  	_ =	shalt  }
0x69: {  	_ =	shalt  }
0x6a: {  	_ =	shalt  }
0x6b: {  	_ =	shalt  }
0x6c: {  	_ =	shalt  }
0x6d: {  	_ =	shalt  }
0x6e: {  	_ =	shalt  }
0x6f: {  	_ =	shalt  }
0x70: {  	_ =	shalt  }
0x71: {  	_ =	shalt  }
0x72: {  	_ =	shalt  }
0x73: {  	_ =	shalt  }
0x74: {  	_ =	shalt  }
0x75: {  	_ =	shalt  }
0x76: {  	_ =	shalt  }
0x77: {  	_ =	shalt  }
0x78: {  	_ =	shalt  }
0x79: {  	_ =	shalt  }
0x7a: {  	_ =	shalt  }
0x7b: {  	_ =	shalt  }
0x7c: {  	_ =	shalt  }
0x7d: {  	_ =	shalt  }
0x7e: {  	_ =	shalt  }
0x7f: {  	_ =	shalt  }
0x80: {  	_ =	shalt  }
0x81: {  	_ =	shalt  }
0x82: {  	_ =	shalt  }
0x83: {  	_ =	shalt  }
0x84: {  	_ =	shalt  }
0x85: {  	_ =	shalt  }
0x86: {  	_ =	shalt  }
0x87: {  	_ =	shalt  }
.Lfunc_end0:
.L_simem_size_0:
called_computation_lowered:
.L_overlay_start_0:
0x88: {  	s2 =	sld [smem:$0x3FD9]  }
0x89: {  	s3 =	sld [smem:$0x3FFE];
	_ =	sdelay $0x1  }
0x8a: {  	s1 =	srdreg.scid  }
0x8b: {  	s0 =	sand.u32 $0x1, s1  }
0x8c: {  	s18 =	sshll.u32 s0, $0xA;
	s2 =	sadd.s32 s3, s2  }
0x8d: {  	s2 =	sadd.s32 s2, s18  }
0x8e: {  	[smem:$0x3FC7] =	sst s2  }
0x8f: {  	_ = 	snop  }
0x90: {  	s2 =	sld [smem:$0x3FC9]  }
0x91: {  	s19 =	sld [smem:$0x3FD0];
	(tm) =	ssettm $0x1  }
0x92: {  	s4 =	sld [smem:$0x3FFB];
	_ =	sdelay $0x3  }
0x93: {  	_ =	strace s4  }
0x94: {  	s4 =	sld [smem:$0x3FFC];
	_ =	sdelay $0x3  }
0x95: {  	_ =	strace s4  }
0x96: {  	s4 =	sld [smem:$0x3FFD];
	_ =	sdelay $0x3  }
0x97: {  	_ =	strace s4  }
0x98: {  	_ =	strace $0x8FFFFFFF  }
0x99: {  	s20 =	sld [smem:$0x3FDB];
	_ =	sdelay $0x1  }
0x9a: {  	s5 =	simm.s32 $_scs_section_size  }
0x9b: {  	s6 =	simm.s32 $_size__tile_overlayer_lowered;
	s7 =	simm.s32 $_tile_overlayer_lowered  }
0x9c: {  	s23 =	simm.s32 $0x1BFF;
	s22 =	sshll.u32 s7, $0x1;
	s4 =	sadd.s32 s5, s20  }
0x9d: {  	s8 =	simm.s32 $0x0;
	s21 =	sshll.u32 s6, $0x1;
	s6 =	sadd.s32 s22, s4  }
0x9e: {  	[timem:s8], [sflag:s23] =	dma.local [hbm:s6], s21  }
0x9f: {  	_ =	swait.ge [sflag:s23], s21  }
0xa0: {  	s5 =	ssub.s32 $0x0, s21;
	[sflag:s23] =	ssyncset.done $0x0  }
0xa1: {  	[sflag:s23] =	ssyncadd.s32 s5;
	_ =	sdelay $0x1  }
0xa2: {  	s24 =	simm.s32 $0x1B8B  }
0xa3: {  	_ =	swait.ge [sflag:s24], $0x1  }
0xa4: {  	[sflag:s24] =	ssyncset.done $0x0  }
0xa5: {  	s25 =	simm.s32 $0x1B8E;
	[sflag:s24] =	ssyncadd.s32 $0xFFFFFFFF  }
0xa6: {  	s26 =	simm.s32 $execute0_lowered;
	[smem:$0x3FD2] =	sst s25  }
0xa7: {  	s5 =	sshll.u32 s26, $0x1;
	_ =	strace $0x80000046;
	[dreg:$0x1] =	wrdreg $0xFFFFFFFF  }
0xa8: {  	s28 =	simm.s32 $_size_execute0_lowered;
	s4 =	sadd.s32 s4, s5;
	[dreg:$0x0] =	wrdreg $0x0  }
0xa9: {  	s5 =	sshll.u32 s28, $0x1;
	[dreg:$0x2] =	wrdreg s4  }
0xaa: {  	[dreg:$0x3] =	wrdreg s5  }
0xab: {  	[dreg:$0x4] =	wrdreg $0xC0  }
0xac: {  	_ =	task [dreg:s8], $0x5FFFF  }
0xad: {  	[dreg:$0x1] =	wrdreg $0xFFFFFFFF  }
0xae: {  	[dreg:$0x0] =	wrdreg $0x60  }
0xaf: {  	[dreg:$0x2] =	wrdreg s2  }
0xb0: {  	[dreg:$0x3] =	wrdreg s19  }
0xb1: {  	[dreg:$0x4] =	wrdreg $0x9  }
0xb2: {  	_ =	task.clear_ibuf [dreg:s8], $0x5FFFF;
	_ =	strace $0x90000046  }
0xb3: {  	s29 =	simm.s32 $0x9;
	_ =	strace $0x80000048  }
0xb4: {  	_ =	swait.ge [sflag:s29], $0x1  }
0xb5: {  	[sflag:s29] =	ssyncadd.s32 $0xFFFFFFFF  }
0xb6: {  	_ =	strace $0x90000048  }
0xb7: {  	_ =	sfence  }
0xb8: {  	s30 =	sld [smem:$0x0];
	_ =	sdelay $0x2  }
0xb9: {  	s31 =	sshll.u32 s1, $0xD;
	s1 =	sshrl.u32 s1, $0x2  }
0xba: {  	s3 =	sand.u32 $0x4000, s31;
	s1 =	sadd.s32 s1, s30  }
0xbb: {  	s0 =	sor.u32 s3, s0;
	s1 =	sshll.u32 s1, $0x11  }
0xbc: {  	s0 =	sor.u32 s1, s0  }
0xbd: {  	s0 =	sadd.s32 $0x8F2B, s0  }
0xbe: {  	[sflag:s0] =	ssyncadd.remote.s32 $0x1  }
0xbf: {  	_ =	sfence.sel $0xFFFF  }
0xc0: {  	[dreg:$0x0] =	wrdreg $0xFFFFFFFF;
	(pc) =	sbr.abs _section_cstart, $3  }
0xc1: {  	[dreg:$0x1] =	wrdreg $0xFFFFFFFF  }
0xc2: {  	_ =	task.clear_ibuf [dreg:s8], $0x2FFFF;
	_ =	strace $0x9FFFFFFF  }
0xc3: {  	(tm) =	ssettm $0x7FFFFFFF  }
tec
execute0_lowered:
.L_overlay_start_1:
0x0: {  	(tag) =	ssettag $0x1  }
0x1: {  	s0 =	rddreg [dreg:$0x0]  }
0x2: {  	s1 =	rddreg [dreg:$0x1];
	s2 =	simm.s32 $0x0  }
0x3: {  	s3 =	srdreg.scid;
	s4 =	stileid.u32;
	s8 =	simm.s32 $0x2  }
0x4: {  	s9 =	simm.s32 $0x200;
	s10 =	simm.s32 $0x1;
	s11 =	simm.s32 $0x0  }
0x5: {  	[smem:$0x7FF] =	sst s2;
	s3 =	sand.u32 $0x1, s3;
	s4 =	sshll.u32 s4, $0x1  }
0x6: {  	_ =	strace $0x80000047;
	s5 =	ssub.s32 $0x2, s3;
	s3 =	sor.u32 s3, s4  }
0x7: {  	s17 =	sshrl.u32 s5, $0x1;
	s6 =	sshll.u32 s3, $0x6;
	s3 =	sshll.u32 s3, $0x12  }
0x8: {  	s5 =	ssub.s32 s5, s17;
	s0 =	sadd.s32 s0, s6;
	s4 =	sadd.s32 s1, s3  }
0x9: {  	[dreg:$0x3] =	wrdreg s0;
	s18 =	sadd.s32 $0x2000, s4;
	s19 =	sadd.s32 $0x4000, s4  }
0xa: {  	s20 =	sadd.s32 $0x6000, s4;
	s21 =	sadd.s32 $0x8000, s4;
	s22 =	sadd.s32 $0xA000, s4  }
0xb: {  	s23 =	sadd.s32 $0xC000, s4;
	s24 =	sadd.s32 $0xE000, s4;
	[dreg:$0x4] =	wrdreg s18  }
0xc: {  	s25 =	sadd.s32 $0x10000, s4;
	s26 =	sadd.s32 $0x12000, s4;
	[dreg:$0x5] =	wrdreg s19  }
0xd: {  	s14 =	sadd.s32 $0x14000, s4;
	s15 =	sadd.s32 $0x16000, s4;
	[dreg:$0x6] =	wrdreg s20  }
0xe: {  	s16 =	sadd.s32 $0x18000, s4;
	s17 =	sadd.s32 $0x1A000, s4;
	[dreg:$0x7] =	wrdreg s21  }
0xf: {  	s28 =	sadd.s32 $0x2C000, s4;
	s29 =	sadd.s32 $0x2E000, s4;
	[dreg:$0x8] =	wrdreg s22  }
0x10: {  	s30 =	sadd.s32 $0x30000, s4;
	s31 =	sadd.s32 $0x32000, s4;
	[dreg:$0x9] =	wrdreg s23  }
0x11: {  	s0 =	sadd.s32 $0x34000, s4;
	s1 =	sadd.s32 $0x36000, s4;
	[dreg:$0xa] =	wrdreg s24  }
0x12: {  	s3 =	sadd.s32 $0x38000, s4;
	s6 =	sadd.s32 $0x3C000, s4;
	[dreg:$0xb] =	wrdreg s25  }
0x13: {  	s7 =	sadd.s32 $0x3E000, s4;
	[dreg:$0xc] =	wrdreg s26;
	s18 =	sadd.s32 $0x1C000, s4  }
0x14: {  	s19 =	sadd.s32 $0x1E000, s4;
	s20 =	sadd.s32 $0x20000, s4;
	s21 =	sadd.s32 $0x22000, s4  }
0x15: {  	s22 =	sadd.s32 $0x24000, s4;
	s23 =	sadd.s32 $0x26000, s4;
	s24 =	sadd.s32 $0x28000, s4  }
0x16: {  	s25 =	smax.u32 s5, $0x1;
	s26 =	sadd.s32 $0x2A000, s4;
	s5 =	sadd.s32 $0x3A000, s4  }
.LBB2_1:
0x17: {  	s12 =	rddreg [dreg:$0x3]  }
0x18: {  	[tilespmem:s2], [sflag:$0x2] =	stream.linear.gather [hbm4b:s12+s2], $0x200, $0x38;
	[tilespmem:$0x10200] =	vst v63  }
0x19: {  	_ =	swait.ge [sflag:s8], $0x200  }
0x1a: {  	[sflag:s8] =	ssyncset.done $0x0  }
0x1b: {  	s13 =	simm.s32 $0x0;
	[sflag:s8] =	ssyncadd.s32 $0xFFFFFE00  }
0x1c: {  	v1 =	vld [tilespmem:s13+$0x0];
	_ =	sdelay $0x2  }
0x1d: {  	v0 =	vimm.f32 $0.0e+00;
	s12 =	simm.s32 $0x40  }
.LBB2_2:
0x1e: {  	p0 =	sne.s32 s12, $0x7C0  }
.Ltmp0:
0x1f: {  	s13 =	sshra.s32 s12, $0x2;
	s12 =	sadd.s32 $0x40, s12;
	v2 =	vsub.f32 $1.000000000e+00, v1;
	v3 =	vmov v1;
	(pc) =	sbr.rel @p0 .LBB2_2-.Ltmp0, $3  }
0x20: {  	v1 =	vld [tilespmem:s13+$0x0]  }
0x21: {  	v2 =	vmul.f32 v2, v3;
	_ =	sdelay $0x1  }
0x22: {  	v0 =	vmax.f32 v0, v2  }
0x23: {  	_ = 	snop  }
0x24: {  	v2 =	vsub.f32 $1.000000000e+00, v1;
	_ =	sdelay $0x1  }
0x25: {  	v1 =	vmul.f32 v2, v1;
	_ =	sdelay $0x1  }
0x26: {  	s12 =	simm.s32 $0x40;
	s13 =	simm.s32 $0x0;
	v0 =	vmax.f32 v0, v1  }
.LBB2_4:
0x27: {  	p0 =	sne.s32 s12, $0x3FFC0;
	[tilespmem:s13+$0x200] =	vst v0;
	s13 =	smov.u32 s12;
	s12 =	sadd.s32 $0x40, s12  }
.Ltmp1:
0x28: {  	(pc) =	sbr.rel @p0 .LBB2_4-.Ltmp1, $2  }
0x29: {  	_ =	sdelay $0x2  }
0x2a: {  	s13 =	sshra.s32 s13, $0x2  }
0x2b: {  	[tilespmem:s13+$0x200] =	vst v0  }
0x2c: {  	[hbm4b:s4+s2] =	stream.linear.scatter [tilespmem:s9], [sflag:$0x1], $0x10000, $0x38;
	[tilespmem:$0x10200] =	vst v63  }
0x2d: {  	s12 =	rddreg [dreg:$0x4]  }
0x2e: {  	[hbm4b:s12+s2] =	stream.linear.scatter [tilespmem:s9], [sflag:$0x1], $0x10000, $0x38;
	[tilespmem:$0x10200] =	vst v63  }
0x2f: {  	s13 =	rddreg [dreg:$0x5]  }
0x30: {  	[hbm4b:s13+s2] =	stream.linear.scatter [tilespmem:s9], [sflag:$0x1], $0x10000, $0x38;
	[tilespmem:$0x10200] =	vst v63  }
0x31: {  	s13 =	rddreg [dreg:$0x6]  }
0x32: {  	[hbm4b:s13+s2] =	stream.linear.scatter [tilespmem:s9], [sflag:$0x1], $0x10000, $0x38;
	[tilespmem:$0x10200] =	vst v63  }
0x33: {  	s13 =	rddreg [dreg:$0x7]  }
0x34: {  	[hbm4b:s13+s2] =	stream.linear.scatter [tilespmem:s9], [sflag:$0x1], $0x10000, $0x38;
	[tilespmem:$0x10200] =	vst v63  }
0x35: {  	s13 =	rddreg [dreg:$0x8]  }
0x36: {  	[hbm4b:s13+s2] =	stream.linear.scatter [tilespmem:s9], [sflag:$0x1], $0x10000, $0x38;
	[tilespmem:$0x10200] =	vst v63  }
0x37: {  	s13 =	rddreg [dreg:$0x9]  }
0x38: {  	[hbm4b:s13+s2] =	stream.linear.scatter [tilespmem:s9], [sflag:$0x1], $0x10000, $0x38;
	[tilespmem:$0x10200] =	vst v63  }
0x39: {  	s13 =	rddreg [dreg:$0xa]  }
0x3a: {  	[hbm4b:s13+s2] =	stream.linear.scatter [tilespmem:s9], [sflag:$0x1], $0x10000, $0x38;
	[tilespmem:$0x10200] =	vst v63  }
0x3b: {  	s13 =	rddreg [dreg:$0xb]  }
0x3c: {  	[hbm4b:s13+s2] =	stream.linear.scatter [tilespmem:s9], [sflag:$0x1], $0x10000, $0x38;
	[tilespmem:$0x10200] =	vst v63  }
0x3d: {  	s13 =	rddreg [dreg:$0xc]  }
0x3e: {  	[hbm4b:s13+s2] =	stream.linear.scatter [tilespmem:s9], [sflag:$0x1], $0x10000, $0x38;
	[tilespmem:$0x10200] =	vst v63  }
0x3f: {  	_ = 	snop  }
0x40: {  	[hbm4b:s14+s2] =	stream.linear.scatter [tilespmem:s9], [sflag:$0x1], $0x10000, $0x38;
	[tilespmem:$0x10200] =	vst v63  }
0x41: {  	_ = 	snop  }
0x42: {  	[hbm4b:s15+s2] =	stream.linear.scatter [tilespmem:s9], [sflag:$0x1], $0x10000, $0x38;
	[tilespmem:$0x10200] =	vst v63  }
0x43: {  	_ = 	snop  }
0x44: {  	[hbm4b:s16+s2] =	stream.linear.scatter [tilespmem:s9], [sflag:$0x1], $0x10000, $0x38;
	[tilespmem:$0x10200] =	vst v63  }
0x45: {  	_ = 	snop  }
0x46: {  	[hbm4b:s17+s2] =	stream.linear.scatter [tilespmem:s9], [sflag:$0x1], $0x10000, $0x38;
	[tilespmem:$0x10200] =	vst v63  }
0x47: {  	_ = 	snop  }
0x48: {  	[hbm4b:s18+s2] =	stream.linear.scatter [tilespmem:s9], [sflag:$0x1], $0x10000, $0x38;
	[tilespmem:$0x10200] =	vst v63  }
0x49: {  	_ = 	snop  }
0x4a: {  	[hbm4b:s19+s2] =	stream.linear.scatter [tilespmem:s9], [sflag:$0x1], $0x10000, $0x38;
	[tilespmem:$0x10200] =	vst v63  }
0x4b: {  	_ = 	snop  }
0x4c: {  	[hbm4b:s20+s2] =	stream.linear.scatter [tilespmem:s9], [sflag:$0x1], $0x10000, $0x38;
	[tilespmem:$0x10200] =	vst v63  }
0x4d: {  	_ = 	snop  }
0x4e: {  	[hbm4b:s21+s2] =	stream.linear.scatter [tilespmem:s9], [sflag:$0x1], $0x10000, $0x38;
	[tilespmem:$0x10200] =	vst v63  }
0x4f: {  	_ = 	snop  }
0x50: {  	[hbm4b:s22+s2] =	stream.linear.scatter [tilespmem:s9], [sflag:$0x1], $0x10000, $0x38;
	[tilespmem:$0x10200] =	vst v63  }
0x51: {  	_ = 	snop  }
0x52: {  	[hbm4b:s23+s2] =	stream.linear.scatter [tilespmem:s9], [sflag:$0x1], $0x10000, $0x38;
	[tilespmem:$0x10200] =	vst v63  }
0x53: {  	_ = 	snop  }
0x54: {  	[hbm4b:s24+s2] =	stream.linear.scatter [tilespmem:s9], [sflag:$0x1], $0x10000, $0x38;
	[tilespmem:$0x10200] =	vst v63  }
0x55: {  	_ = 	snop  }
0x56: {  	[hbm4b:s26+s2] =	stream.linear.scatter [tilespmem:s9], [sflag:$0x1], $0x10000, $0x38;
	[tilespmem:$0x10200] =	vst v63  }
0x57: {  	_ = 	snop  }
0x58: {  	[hbm4b:s28+s2] =	stream.linear.scatter [tilespmem:s9], [sflag:$0x1], $0x10000, $0x38;
	[tilespmem:$0x10200] =	vst v63  }
0x59: {  	_ = 	snop  }
0x5a: {  	[hbm4b:s29+s2] =	stream.linear.scatter [tilespmem:s9], [sflag:$0x1], $0x10000, $0x38;
	[tilespmem:$0x10200] =	vst v63  }
0x5b: {  	_ = 	snop  }
0x5c: {  	[hbm4b:s30+s2] =	stream.linear.scatter [tilespmem:s9], [sflag:$0x1], $0x10000, $0x38;
	[tilespmem:$0x10200] =	vst v63  }
0x5d: {  	_ = 	snop  }
0x5e: {  	[hbm4b:s31+s2] =	stream.linear.scatter [tilespmem:s9], [sflag:$0x1], $0x10000, $0x38;
	[tilespmem:$0x10200] =	vst v63  }
0x5f: {  	_ = 	snop  }
0x60: {  	[hbm4b:s0+s2] =	stream.linear.scatter [tilespmem:s9], [sflag:$0x1], $0x10000, $0x38;
	[tilespmem:$0x10200] =	vst v63  }
0x61: {  	_ = 	snop  }
0x62: {  	[hbm4b:s1+s2] =	stream.linear.scatter [tilespmem:s9], [sflag:$0x1], $0x10000, $0x38;
	[tilespmem:$0x10200] =	vst v63  }
0x63: {  	_ = 	snop  }
0x64: {  	[hbm4b:s3+s2] =	stream.linear.scatter [tilespmem:s9], [sflag:$0x1], $0x10000, $0x38;
	[tilespmem:$0x10200] =	vst v63  }
0x65: {  	_ = 	snop  }
0x66: {  	[hbm4b:s5+s2] =	stream.linear.scatter [tilespmem:s9], [sflag:$0x1], $0x10000, $0x38;
	[tilespmem:$0x10200] =	vst v63  }
0x67: {  	_ = 	snop  }
0x68: {  	[hbm4b:s6+s2] =	stream.linear.scatter [tilespmem:s9], [sflag:$0x1], $0x10000, $0x38;
	[tilespmem:$0x10200] =	vst v63  }
0x69: {  	_ = 	snop  }
0x6a: {  	[hbm4b:s7+s2] =	stream.linear.scatter [tilespmem:s9], [sflag:$0x1], $0x10000, $0x38;
	[tilespmem:$0x10200] =	vst v63  }
0x6b: {  	_ =	swait.ge [sflag:s10], $0x10000  }
0x6c: {  	[sflag:s10] =	ssyncset.done $0x0  }
0x6d: {  	[sflag:s10] =	ssyncadd.s32 $0xFFFF0000  }
0x6e: {  	_ =	swait.ge [sflag:s10], $0x10000  }
0x6f: {  	[sflag:s10] =	ssyncset.done $0x0  }
0x70: {  	[sflag:s10] =	ssyncadd.s32 $0xFFFF0000  }
0x71: {  	_ =	swait.ge [sflag:s10], $0x10000  }
0x72: {  	[sflag:s10] =	ssyncset.done $0x0  }
0x73: {  	[sflag:s10] =	ssyncadd.s32 $0xFFFF0000  }
0x74: {  	_ =	swait.ge [sflag:s10], $0x10000  }
0x75: {  	[sflag:s10] =	ssyncset.done $0x0  }
0x76: {  	[sflag:s10] =	ssyncadd.s32 $0xFFFF0000  }
0x77: {  	_ =	swait.ge [sflag:s10], $0x10000  }
0x78: {  	[sflag:s10] =	ssyncset.done $0x0  }
0x79: {  	[sflag:s10] =	ssyncadd.s32 $0xFFFF0000  }
0x7a: {  	_ =	swait.ge [sflag:s10], $0x10000  }
0x7b: {  	[sflag:s10] =	ssyncset.done $0x0  }
0x7c: {  	[sflag:s10] =	ssyncadd.s32 $0xFFFF0000  }
0x7d: {  	_ =	swait.ge [sflag:s10], $0x10000  }
0x7e: {  	[sflag:s10] =	ssyncset.done $0x0  }
0x7f: {  	[sflag:s10] =	ssyncadd.s32 $0xFFFF0000  }
0x80: {  	_ =	swait.ge [sflag:s10], $0x10000  }
0x81: {  	[sflag:s10] =	ssyncset.done $0x0  }
0x82: {  	[sflag:s10] =	ssyncadd.s32 $0xFFFF0000  }
0x83: {  	_ =	swait.ge [sflag:s10], $0x10000  }
0x84: {  	[sflag:s10] =	ssyncset.done $0x0  }
0x85: {  	[sflag:s10] =	ssyncadd.s32 $0xFFFF0000  }
0x86: {  	_ =	swait.ge [sflag:s10], $0x10000  }
0x87: {  	[sflag:s10] =	ssyncset.done $0x0  }
0x88: {  	[sflag:s10] =	ssyncadd.s32 $0xFFFF0000  }
0x89: {  	_ =	swait.ge [sflag:s10], $0x10000  }
0x8a: {  	[sflag:s10] =	ssyncset.done $0x0  }
0x8b: {  	[sflag:s10] =	ssyncadd.s32 $0xFFFF0000  }
0x8c: {  	_ =	swait.ge [sflag:s10], $0x10000  }
0x8d: {  	[sflag:s10] =	ssyncset.done $0x0  }
0x8e: {  	[sflag:s10] =	ssyncadd.s32 $0xFFFF0000  }
0x8f: {  	_ =	swait.ge [sflag:s10], $0x10000  }
0x90: {  	[sflag:s10] =	ssyncset.done $0x0  }
0x91: {  	[sflag:s10] =	ssyncadd.s32 $0xFFFF0000  }
0x92: {  	_ =	swait.ge [sflag:s10], $0x10000  }
0x93: {  	[sflag:s10] =	ssyncset.done $0x0  }
0x94: {  	[sflag:s10] =	ssyncadd.s32 $0xFFFF0000  }
0x95: {  	_ =	swait.ge [sflag:s10], $0x10000  }
0x96: {  	[sflag:s10] =	ssyncset.done $0x0  }
0x97: {  	[sflag:s10] =	ssyncadd.s32 $0xFFFF0000  }
0x98: {  	_ =	swait.ge [sflag:s10], $0x10000  }
0x99: {  	[sflag:s10] =	ssyncset.done $0x0  }
0x9a: {  	[sflag:s10] =	ssyncadd.s32 $0xFFFF0000  }
0x9b: {  	_ =	swait.ge [sflag:s10], $0x10000  }
0x9c: {  	[sflag:s10] =	ssyncset.done $0x0  }
0x9d: {  	[sflag:s10] =	ssyncadd.s32 $0xFFFF0000  }
0x9e: {  	_ =	swait.ge [sflag:s10], $0x10000  }
0x9f: {  	[sflag:s10] =	ssyncset.done $0x0  }
0xa0: {  	[sflag:s10] =	ssyncadd.s32 $0xFFFF0000  }
0xa1: {  	_ =	swait.ge [sflag:s10], $0x10000  }
0xa2: {  	[sflag:s10] =	ssyncset.done $0x0  }
0xa3: {  	[sflag:s10] =	ssyncadd.s32 $0xFFFF0000  }
0xa4: {  	_ =	swait.ge [sflag:s10], $0x10000  }
0xa5: {  	[sflag:s10] =	ssyncset.done $0x0  }
0xa6: {  	[sflag:s10] =	ssyncadd.s32 $0xFFFF0000  }
0xa7: {  	_ =	swait.ge [sflag:s10], $0x10000  }
0xa8: {  	[sflag:s10] =	ssyncset.done $0x0  }
0xa9: {  	[sflag:s10] =	ssyncadd.s32 $0xFFFF0000  }
0xaa: {  	_ =	swait.ge [sflag:s10], $0x10000  }
0xab: {  	[sflag:s10] =	ssyncset.done $0x0  }
0xac: {  	[sflag:s10] =	ssyncadd.s32 $0xFFFF0000  }
0xad: {  	_ =	swait.ge [sflag:s10], $0x10000  }
0xae: {  	[sflag:s10] =	ssyncset.done $0x0  }
0xaf: {  	[sflag:s10] =	ssyncadd.s32 $0xFFFF0000  }
0xb0: {  	_ =	swait.ge [sflag:s10], $0x10000  }
0xb1: {  	[sflag:s10] =	ssyncset.done $0x0  }
0xb2: {  	[sflag:s10] =	ssyncadd.s32 $0xFFFF0000  }
0xb3: {  	_ =	swait.ge [sflag:s10], $0x10000  }
0xb4: {  	[sflag:s10] =	ssyncset.done $0x0  }
0xb5: {  	[sflag:s10] =	ssyncadd.s32 $0xFFFF0000  }
0xb6: {  	_ =	swait.ge [sflag:s10], $0x10000  }
0xb7: {  	[sflag:s10] =	ssyncset.done $0x0  }
0xb8: {  	[sflag:s10] =	ssyncadd.s32 $0xFFFF0000  }
0xb9: {  	_ =	swait.ge [sflag:s10], $0x10000  }
0xba: {  	[sflag:s10] =	ssyncset.done $0x0  }
0xbb: {  	[sflag:s10] =	ssyncadd.s32 $0xFFFF0000  }
0xbc: {  	_ =	swait.ge [sflag:s10], $0x10000  }
0xbd: {  	[sflag:s10] =	ssyncset.done $0x0  }
0xbe: {  	[sflag:s10] =	ssyncadd.s32 $0xFFFF0000  }
0xbf: {  	_ =	swait.ge [sflag:s10], $0x10000  }
0xc0: {  	[sflag:s10] =	ssyncset.done $0x0  }
0xc1: {  	[sflag:s10] =	ssyncadd.s32 $0xFFFF0000  }
0xc2: {  	_ =	swait.ge [sflag:s10], $0x10000  }
0xc3: {  	[sflag:s10] =	ssyncset.done $0x0  }
0xc4: {  	s11 =	sadd.s32 $0x1, s11;
	[sflag:s10] =	ssyncadd.s32 $0xFFFF0000  }
0xc5: {  	p0 =	sne.s32 s11, s25;
	_ =	swait.ge [sflag:s10], $0x10000  }
.Ltmp2:
0xc6: {  	[sflag:s10] =	ssyncset.done $0x0;
	(pc) =	sbr.rel @p0 .LBB2_1-.Ltmp2, $4  }
0xc7: {  	[sflag:s10] =	ssyncadd.s32 $0xFFFF0000  }
0xc8: {  	_ =	swait.ge [sflag:s10], $0x10000  }
0xc9: {  	[sflag:s10] =	ssyncset.done $0x0  }
0xca: {  	[sflag:s10] =	ssyncadd.s32 $0xFFFF0000  }
0xcb: {  	_ =	sfence.sel $0x180000  }
0xcc: {  	[bflag:$0x0] =	sbarrier.arrive $0xFFFF  }
0xcd: {  	_ =	strace $0x90000047  }
0xce: {  	s0 =	stileid.u32;
	[bflag:$0x2] =	sbarrier.arrive $0xFFFF  }
0xcf: {  	p0 =	sne.s32 s0, $0x0;
	s0 =	rddreg [dreg:$0x2]  }
0xd0: {  	s0 =	sadd.s32 @!p0 $0x100000, s0  }
0xd1: {  	[sflag:s0] =	ssyncadd.tile.s32 @!p0 $0x1;
	_ =	shalt  }
.Lfunc_end2:
_tile_overlayer_lowered:
.L_overlay_start_2:
0xd2: {  	(tag) =	ssettag $0x2  }
0xd3: {  	s0 =	rddreg [dreg:$0x0];
	s2 =	stileid.u32  }
0xd4: {  	s1 =	rddreg [dreg:$0x1];
	p0 =	sne.s32 s2, $0x0  }
0xd5: {  	s3 =	rddreg [dreg:$0x2];
	[bflag:$0x3] =	sbarrier.arrive $0xFFFF;
	s2 =	simm.s32 @!p0 $0x1C02  }
0xd6: {  	[timem:s3], [sflag:s2] =	dma.local @!p0 [hbm:s0], s1  }
0xd7: {  	s0 =	simm.s32 @!p0 $0x2  }
0xd8: {  	_ =	swait.ge @!p0 [sflag:s0], s1  }
0xd9: {  	s1 =	ssub.s32 @!p0 $0x0, s1;
	[sflag:s0] =	ssyncset.done @!p0 $0x0  }
0xda: {  	[sflag:s0] =	ssyncadd.s32 @!p0 s1  }
0xdb: {  	[bflag:$0x3] =	sbarrier.arrive $0xFFFF  }
0xdc: {  	_ =	shalt  }

</sc_bundles>
